<compile_context>
chip_gen: v7x
topology: tpu7x:2x2x1
jax: 0.10.2.dev20260603
libtpu: 0.0.44.dev20260713+nightly
codegen_flags: <defaults>
</compile_context>

<pallas_src>
import jax
import jax.numpy as jnp
from jax import lax
from jax.experimental import pallas as pl
from jax.experimental.pallas import tpu as pltpu
from jax.experimental.pallas import tpu_sc as plsc

NC = 2
NS = 16
NW = NC * NS
C = 128


def _sc_agg_kernel(n_pad, k, d, interpret=False):
    rps = n_pad // NS

    def body(x_hbm, src_hbm, dst_hbm, z_hbm, out_hbm,
             agg_sh, src_v, dst_v, gbuf, sem, psem):
        cid = lax.axis_index("c")
        sid = lax.axis_index("s")
        wid = sid * NC + cid

        z_cp = pltpu.async_copy(
            z_hbm, agg_sh.at[pl.ds(sid * rps, rps)], psem.at[0])
        s_cp = pltpu.async_copy(src_hbm.at[wid], src_v, psem.at[1])
        d_cp = pltpu.async_copy(dst_hbm.at[wid], dst_v, psem.at[2])
        z_cp.wait()
        s_cp.wait()
        d_cp.wait()
        plsc.subcore_barrier()

        def step(j, carry):
            pltpu.async_copy(x_hbm.at[src_v.at[j]], gbuf, sem).wait()
            pltpu.sync_copy(gbuf, agg_sh.at[dst_v.at[j]], add=True)
            return carry

        lax.fori_loop(0, k, step, 0)
        plsc.subcore_barrier()
        pltpu.sync_copy(agg_sh.at[pl.ds(sid * rps, rps)],
                        out_hbm.at[cid, pl.ds(sid * rps, rps)])

    mesh = plsc.VectorSubcoreMesh(core_axis_name="c", subcore_axis_name="s")
    return pl.kernel(
        body,
        out_type=jax.ShapeDtypeStruct((NC, n_pad, d), jnp.float32),
        mesh=mesh,
        scratch_types=[
            pltpu.VMEM_SHARED((n_pad, d), jnp.float32),
            pltpu.VMEM((k, C), jnp.int32),
            pltpu.VMEM((k, C), jnp.int32),
            pltpu.VMEM((C, d), jnp.float32),
            pltpu.SemaphoreType.DMA,
            pltpu.SemaphoreType.DMA((3,)),
        ],
        interpret=interpret,
    )


def _tc_body(p0_ref, p1_ref, x_ref, wt_ref, o_ref):
    agg = p0_ref[...] + p1_ref[...]
    h = jnp.dot(agg, wt_ref[...], preferred_element_type=jnp.float32)
    o_ref[...] = jnp.maximum(h, 0.0) + x_ref[...]


@jax.jit
def kernel(x, edge_index, W):
    n, d = x.shape
    e = edge_index.shape[1]

    k = -(-e // (NW * C))
    e_pad = NW * k * C
    n_pad = -(-(n + 1) // (NS * 8)) * (NS * 8)

    src = edge_index[0]
    dst = edge_index[1]
    pad_dst = n + (jnp.arange(e_pad - e, dtype=jnp.int32) % (n_pad - n))
    src_p = jnp.concatenate(
        [src, jnp.zeros((e_pad - e,), jnp.int32)]).reshape(NW, k, C)
    dst_p = jnp.concatenate([dst, pad_dst]).reshape(NW, k, C)
    zrows = jnp.zeros((n_pad // NS, d), jnp.float32)

    partials = _sc_agg_kernel(n_pad, k, d)(x, src_p, dst_p, zrows)

    nb = 8 * 125
    out = pl.pallas_call(
        _tc_body,
        out_shape=jax.ShapeDtypeStruct((n, d), jnp.float32),
        grid=(n // nb,),
        in_specs=[
            pl.BlockSpec((nb, d), lambda i: (i, 0)),
            pl.BlockSpec((nb, d), lambda i: (i, 0)),
            pl.BlockSpec((nb, d), lambda i: (i, 0)),
            pl.BlockSpec((d, d), lambda i: (0, 0)),
        ],
        out_specs=pl.BlockSpec((nb, d), lambda i: (i, 0)),
    )(partials[0, :n], partials[1, :n], x, W.T)
    return out

# --- scband reference (transcript-rebuilt; emitter-appended) ---
"""Pipeline reference for scband-gcn-mc-23106924052860 (READ-ONLY COPY).

The authoritative reference and input builder live on the scoring server;
editing this copy changes nothing except your own understanding.
"""

import jax, jax.numpy as jnp
import numpy as np

N = 10000
E = 320000
D = 128


def setup_inputs(seed: int = 0) -> dict:
    key = jax.random.key(seed)
    k1, k2, k3 = jax.random.split(key, 3)
    x = jax.random.normal(k1, (N, D), dtype=jnp.float32)
    edge_index = jax.random.randint(k2, (2, E), 0, N, dtype=jnp.int32)
    # nn.Linear(in_channels=128, out_channels=128, bias=False) weight: [out, in]
    W = jax.random.normal(k3, (D, D), dtype=jnp.float32) * (1.0 / np.sqrt(D))
    return {"x": x, "edge_index": edge_index, "W": W}


def reference(x, edge_index, W):
    # DGL update_all(copy_src('x'), reduce_sum): each dst node sums src features.
    # Nodes with no in-edges get zeros (matches segment_sum semantics).
    h_in = x
    src = edge_index[0]
    dst = edge_index[1]
    m = jnp.take(x, src, axis=0)              # gather src features per edge
    agg = jax.ops.segment_sum(m, dst, num_segments=N)  # scatter-add to dst
    h = agg @ W.T                              # linear1, no bias
    # dropout is identity at inference
    h = jax.nn.relu(h)                         # activation
    # is_normalize=False -> skip F.normalize
    h = h + h_in                               # residual
    return h

if __name__ == "__main__":
    import jax
    _d = setup_inputs()
    print(jax.jit(kernel)(*tuple(_d.values())))

</pallas_src>

<mosaic_0001>
#map = affine_map<(d0, d1) -> (0, 0)>
#map1 = affine_map<(d0, d1) -> (0, 0, 0)>
module attributes {stable_mosaic.version = 14 : i64} {
  func.func @body(%arg0: i32, %arg1: i32, %arg2: memref<10000x128xf32, #tpu.memory_space<hbm>>, %arg3: memref<32x79x128xi32, #tpu.memory_space<hbm>>, %arg4: memref<32x79x128xi32, #tpu.memory_space<hbm>>, %arg5: memref<632x128xf32, #tpu.memory_space<hbm>>, %arg6: memref<2x10112x128xf32, #tpu.memory_space<hbm>>, %arg7: memref<10112x128xf32, #tpu.memory_space<vmem_shared>>, %arg8: memref<79x128xi32, #tpu.memory_space<vmem>>, %arg9: memref<79x128xi32, #tpu.memory_space<vmem>>, %arg10: memref<128x128xf32, #tpu.memory_space<vmem>>, %arg11: memref<!tpu.dma_semaphore, #tpu.memory_space<semaphore_mem>>, %arg12: memref<3x!tpu.dma_semaphore, #tpu.memory_space<semaphore_mem>>) attributes {dimension_semantics = [#tpu.dimension_semantics<core_parallel>, #tpu.dimension_semantics<subcore_parallel>], iteration_bounds = array<i64: 2, 16>, scalar_prefetch = 0 : i64, scratch_operands = 6 : i64, tpu.core_type = #tpu.core_type<sc_vector_subcore>, window_params = [{transform_indices = #map}, {transform_indices = #map1}, {transform_indices = #map1}, {transform_indices = #map}, {transform_indices = #map1}]} {
    %mul3A = arith.constant 2 : i32
    %mul3A_0 = arith.muli %arg1, %mul3A : i32
    %add3A = arith.addi %mul3A_0, %arg0 : i32
    %mul3A_1 = arith.constant 632 : i32
    %mul3A_2 = arith.muli %arg1, %mul3A_1 : i32
    %dma_start3A = arith.constant 0 : i32
    %dma_start3A_3 = tpu.memref_slice %arg12[%dma_start3A] : memref<3x!tpu.dma_semaphore, #tpu.memory_space<semaphore_mem>> -> memref<1x!tpu.dma_semaphore, #tpu.memory_space<semaphore_mem>>
    %dma_start3A_4 = tpu.memref_squeeze %dma_start3A_3 : memref<1x!tpu.dma_semaphore, #tpu.memory_space<semaphore_mem>> -> memref<!tpu.dma_semaphore, #tpu.memory_space<semaphore_mem>>
    %dma_start3A_5 = arith.constant 0 : i32
    %dma_start3A_6 = tpu.memref_slice %arg7[%mul3A_2, %dma_start3A_5] : memref<10112x128xf32, #tpu.memory_space<vmem_shared>> -> memref<632x128xf32, #tpu.memory_space<vmem_shared>>
    tpu.enqueue_dma source(%arg5 : memref<632x128xf32, #tpu.memory_space<hbm>>) target(%dma_start3A_6 : memref<632x128xf32, #tpu.memory_space<vmem_shared>>) target_semaphore(%dma_start3A_4 : memref<!tpu.dma_semaphore, #tpu.memory_space<semaphore_mem>>)
    %dma_start3A_7 = arith.constant 1 : i32
    %dma_start3A_8 = arith.constant 0 : i32
    %dma_start3A_9 = arith.constant 0 : i32
    %dma_start3A_10 = tpu.memref_slice %arg3[%add3A, %dma_start3A_8, %dma_start3A_9] : memref<32x79x128xi32, #tpu.memory_space<hbm>> -> memref<1x79x128xi32, #tpu.memory_space<hbm>>
    %dma_start3A_11 = tpu.memref_squeeze %dma_start3A_10 : memref<1x79x128xi32, #tpu.memory_space<hbm>> -> memref<79x128xi32, #tpu.memory_space<hbm>>
    %dma_start3A_12 = tpu.memref_slice %arg12[%dma_start3A_7] : memref<3x!tpu.dma_semaphore, #tpu.memory_space<semaphore_mem>> -> memref<1x!tpu.dma_semaphore, #tpu.memory_space<semaphore_mem>>
    %dma_start3A_13 = tpu.memref_squeeze %dma_start3A_12 : memref<1x!tpu.dma_semaphore, #tpu.memory_space<semaphore_mem>> -> memref<!tpu.dma_semaphore, #tpu.memory_space<semaphore_mem>>
    %dma_start3A_14 = arith.constant 0 : i32
    %dma_start3A_15 = arith.constant 0 : i32
    %dma_start3A_16 = tpu.memref_slice %arg3[%add3A, %dma_start3A_14, %dma_start3A_15] : memref<32x79x128xi32, #tpu.memory_space<hbm>> -> memref<1x79x128xi32, #tpu.memory_space<hbm>>
    %dma_start3A_17 = tpu.memref_squeeze %dma_start3A_16 : memref<1x79x128xi32, #tpu.memory_space<hbm>> -> memref<79x128xi32, #tpu.memory_space<hbm>>
    tpu.enqueue_dma source(%dma_start3A_17 : memref<79x128xi32, #tpu.memory_space<hbm>>) target(%arg8 : memref<79x128xi32, #tpu.memory_space<vmem>>) target_semaphore(%dma_start3A_13 : memref<!tpu.dma_semaphore, #tpu.memory_space<semaphore_mem>>)
    %dma_start3A_18 = arith.constant 2 : i32
    %dma_start3A_19 = arith.constant 0 : i32
    %dma_start3A_20 = arith.constant 0 : i32
    %dma_start3A_21 = tpu.memref_slice %arg4[%add3A, %dma_start3A_19, %dma_start3A_20] : memref<32x79x128xi32, #tpu.memory_space<hbm>> -> memref<1x79x128xi32, #tpu.memory_space<hbm>>
    %dma_start3A_22 = tpu.memref_squeeze %dma_start3A_21 : memref<1x79x128xi32, #tpu.memory_space<hbm>> -> memref<79x128xi32, #tpu.memory_space<hbm>>
    %dma_start3A_23 = tpu.memref_slice %arg12[%dma_start3A_18] : memref<3x!tpu.dma_semaphore, #tpu.memory_space<semaphore_mem>> -> memref<1x!tpu.dma_semaphore, #tpu.memory_space<semaphore_mem>>
    %dma_start3A_24 = tpu.memref_squeeze %dma_start3A_23 : memref<1x!tpu.dma_semaphore, #tpu.memory_space<semaphore_mem>> -> memref<!tpu.dma_semaphore, #tpu.memory_space<semaphore_mem>>
    %dma_start3A_25 = arith.constant 0 : i32
    %dma_start3A_26 = arith.constant 0 : i32
    %dma_start3A_27 = tpu.memref_slice %arg4[%add3A, %dma_start3A_25, %dma_start3A_26] : memref<32x79x128xi32, #tpu.memory_space<hbm>> -> memref<1x79x128xi32, #tpu.memory_space<hbm>>
    %dma_start3A_28 = tpu.memref_squeeze %dma_start3A_27 : memref<1x79x128xi32, #tpu.memory_space<hbm>> -> memref<79x128xi32, #tpu.memory_space<hbm>>
    tpu.enqueue_dma source(%dma_start3A_28 : memref<79x128xi32, #tpu.memory_space<hbm>>) target(%arg9 : memref<79x128xi32, #tpu.memory_space<vmem>>) target_semaphore(%dma_start3A_24 : memref<!tpu.dma_semaphore, #tpu.memory_space<semaphore_mem>>)
    %dma_wait3A = arith.constant 0 : i32
    %dma_wait3A_29 = tpu.memref_slice %arg12[%dma_wait3A] : memref<3x!tpu.dma_semaphore, #tpu.memory_space<semaphore_mem>> -> memref<1x!tpu.dma_semaphore, #tpu.memory_space<semaphore_mem>>
    %dma_wait3A_30 = tpu.memref_squeeze %dma_wait3A_29 : memref<1x!tpu.dma_semaphore, #tpu.memory_space<semaphore_mem>> -> memref<!tpu.dma_semaphore, #tpu.memory_space<semaphore_mem>>
    %dma_wait3A_31 = arith.constant 0 : i32
    %dma_wait3A_32 = tpu.memref_slice %arg7[%mul3A_2, %dma_wait3A_31] : memref<10112x128xf32, #tpu.memory_space<vmem_shared>> -> memref<632x128xf32, #tpu.memory_space<vmem_shared>>
    tpu.wait_dma2 semaphore(%dma_wait3A_30 : memref<!tpu.dma_semaphore, #tpu.memory_space<semaphore_mem>>) src(%arg5 : memref<632x128xf32, #tpu.memory_space<hbm>>) dst(%dma_wait3A_32 : memref<632x128xf32, #tpu.memory_space<vmem_shared>>)
    %dma_wait3A_33 = arith.constant 1 : i32
    %dma_wait3A_34 = arith.constant 0 : i32
    %dma_wait3A_35 = arith.constant 0 : i32
    %dma_wait3A_36 = tpu.memref_slice %arg3[%add3A, %dma_wait3A_34, %dma_wait3A_35] : memref<32x79x128xi32, #tpu.memory_space<hbm>> -> memref<1x79x128xi32, #tpu.memory_space<hbm>>
    %dma_wait3A_37 = tpu.memref_squeeze %dma_wait3A_36 : memref<1x79x128xi32, #tpu.memory_space<hbm>> -> memref<79x128xi32, #tpu.memory_space<hbm>>
    %dma_wait3A_38 = tpu.memref_slice %arg12[%dma_wait3A_33] : memref<3x!tpu.dma_semaphore, #tpu.memory_space<semaphore_mem>> -> memref<1x!tpu.dma_semaphore, #tpu.memory_space<semaphore_mem>>
    %dma_wait3A_39 = tpu.memref_squeeze %dma_wait3A_38 : memref<1x!tpu.dma_semaphore, #tpu.memory_space<semaphore_mem>> -> memref<!tpu.dma_semaphore, #tpu.memory_space<semaphore_mem>>
    %dma_wait3A_40 = arith.constant 0 : i32
    %dma_wait3A_41 = arith.constant 0 : i32
    %dma_wait3A_42 = tpu.memref_slice %arg3[%add3A, %dma_wait3A_40, %dma_wait3A_41] : memref<32x79x128xi32, #tpu.memory_space<hbm>> -> memref<1x79x128xi32, #tpu.memory_space<hbm>>
    %dma_wait3A_43 = tpu.memref_squeeze %dma_wait3A_42 : memref<1x79x128xi32, #tpu.memory_space<hbm>> -> memref<79x128xi32, #tpu.memory_space<hbm>>
    tpu.wait_dma2 semaphore(%dma_wait3A_39 : memref<!tpu.dma_semaphore, #tpu.memory_space<semaphore_mem>>) src(%dma_wait3A_43 : memref<79x128xi32, #tpu.memory_space<hbm>>) dst(%arg8 : memref<79x128xi32, #tpu.memory_space<vmem>>)
    %dma_wait3A_44 = arith.constant 2 : i32
    %dma_wait3A_45 = arith.constant 0 : i32
    %dma_wait3A_46 = arith.constant 0 : i32
    %dma_wait3A_47 = tpu.memref_slice %arg4[%add3A, %dma_wait3A_45, %dma_wait3A_46] : memref<32x79x128xi32, #tpu.memory_space<hbm>> -> memref<1x79x128xi32, #tpu.memory_space<hbm>>
    %dma_wait3A_48 = tpu.memref_squeeze %dma_wait3A_47 : memref<1x79x128xi32, #tpu.memory_space<hbm>> -> memref<79x128xi32, #tpu.memory_space<hbm>>
    %dma_wait3A_49 = tpu.memref_slice %arg12[%dma_wait3A_44] : memref<3x!tpu.dma_semaphore, #tpu.memory_space<semaphore_mem>> -> memref<1x!tpu.dma_semaphore, #tpu.memory_space<semaphore_mem>>
    %dma_wait3A_50 = tpu.memref_squeeze %dma_wait3A_49 : memref<1x!tpu.dma_semaphore, #tpu.memory_space<semaphore_mem>> -> memref<!tpu.dma_semaphore, #tpu.memory_space<semaphore_mem>>
    %dma_wait3A_51 = arith.constant 0 : i32
    %dma_wait3A_52 = arith.constant 0 : i32
    %dma_wait3A_53 = tpu.memref_slice %arg4[%add3A, %dma_wait3A_51, %dma_wait3A_52] : memref<32x79x128xi32, #tpu.memory_space<hbm>> -> memref<1x79x128xi32, #tpu.memory_space<hbm>>
    %dma_wait3A_54 = tpu.memref_squeeze %dma_wait3A_53 : memref<1x79x128xi32, #tpu.memory_space<hbm>> -> memref<79x128xi32, #tpu.memory_space<hbm>>
    tpu.wait_dma2 semaphore(%dma_wait3A_50 : memref<!tpu.dma_semaphore, #tpu.memory_space<semaphore_mem>>) src(%dma_wait3A_54 : memref<79x128xi32, #tpu.memory_space<hbm>>) dst(%arg9 : memref<79x128xi32, #tpu.memory_space<vmem>>)
    %barrier3A = arith.constant 0 : index
    tpu.barrier barrier_id(%barrier3A)
    %scan3A = arith.constant 0 : i32
    %scan3A_55 = arith.constant 0 : i32
    %scan3A_56 = arith.constant 79 : i32
    %scan3A_57 = arith.addi %scan3A_55, %scan3A_56 : i32
    %scan3A_58 = arith.constant 1 : i32
    scf.for %scan3A_65 = %scan3A_55 to %scan3A_57 step %scan3A_58  : i32 {
      %dma_start3A_66 = arith.constant 0 : i32
      %dma_start3A_67 = tpu.memref_slice %arg8[%scan3A_65, %dma_start3A_66] : memref<79x128xi32, #tpu.memory_space<vmem>> -> memref<1x128xi32, #tpu.memory_space<vmem>>
      %dma_start3A_68 = tpu.memref_squeeze %dma_start3A_67 : memref<1x128xi32, #tpu.memory_space<vmem>> -> memref<128xi32, #tpu.memory_space<vmem>>
      %dma_start3A_69 = arith.constant 0 : i32
      %dma_start3A_70 = arith.constant 0 : i32
      %dma_start3A_71 = tpu.memref_slice %arg2[%dma_start3A_69, %dma_start3A_70] : memref<10000x128xf32, #tpu.memory_space<hbm>> -> memref<10000x128xf32, #tpu.memory_space<hbm>>
      tpu.enqueue_indirect_dma source(%dma_start3A_71 : memref<10000x128xf32, #tpu.memory_space<hbm>>) target(%arg10 : memref<128x128xf32, #tpu.memory_space<vmem>>) offsets(%dma_start3A_68 : memref<128xi32, #tpu.memory_space<vmem>>) semaphore(%arg11 : memref<!tpu.dma_semaphore, #tpu.memory_space<semaphore_mem>>)
      %dma_wait3A_72 = arith.constant 0 : i32
      %dma_wait3A_73 = tpu.memref_slice %arg8[%scan3A_65, %dma_wait3A_72] : memref<79x128xi32, #tpu.memory_space<vmem>> -> memref<1x128xi32, #tpu.memory_space<vmem>>
      %dma_wait3A_74 = tpu.memref_squeeze %dma_wait3A_73 : memref<1x128xi32, #tpu.memory_space<vmem>> -> memref<128xi32, #tpu.memory_space<vmem>>
      %dma_wait3A_75 = arith.constant 0 : i32
      %dma_wait3A_76 = arith.constant 0 : i32
      %dma_wait3A_77 = tpu.memref_slice %arg2[%dma_wait3A_75, %dma_wait3A_76] : memref<10000x128xf32, #tpu.memory_space<hbm>> -> memref<10000x128xf32, #tpu.memory_space<hbm>>
      tpu.wait_indirect_dma semaphore(%arg11 : memref<!tpu.dma_semaphore, #tpu.memory_space<semaphore_mem>>) src(%dma_wait3A_77 : memref<10000x128xf32, #tpu.memory_space<hbm>>) dst(%arg10 : memref<128x128xf32, #tpu.memory_space<vmem>>)
      "tpu.region"() ({
        %run_scoped3A = tpu.sem_alloc : memref<!tpu.dma_semaphore, #tpu.memory_space<semaphore_mem>>
        %dma_start3A_78 = arith.constant 0 : i32
        %dma_start3A_79 = tpu.memref_slice %arg9[%scan3A_65, %dma_start3A_78] : memref<79x128xi32, #tpu.memory_space<vmem>> -> memref<1x128xi32, #tpu.memory_space<vmem>>
        %dma_start3A_80 = tpu.memref_squeeze %dma_start3A_79 : memref<1x128xi32, #tpu.memory_space<vmem>> -> memref<128xi32, #tpu.memory_space<vmem>>
        %dma_start3A_81 = arith.constant 0 : i32
        %dma_start3A_82 = arith.constant 0 : i32
        %dma_start3A_83 = tpu.memref_slice %arg7[%dma_start3A_81, %dma_start3A_82] : memref<10112x128xf32, #tpu.memory_space<vmem_shared>> -> memref<10112x128xf32, #tpu.memory_space<vmem_shared>>
        tpu.enqueue_indirect_dma source(%arg10 : memref<128x128xf32, #tpu.memory_space<vmem>>) target(%dma_start3A_83 : memref<10112x128xf32, #tpu.memory_space<vmem_shared>>) offsets(%dma_start3A_80 : memref<128xi32, #tpu.memory_space<vmem>>) semaphore(%run_scoped3A : memref<!tpu.dma_semaphore, #tpu.memory_space<semaphore_mem>>) {add = true}
        %dma_wait3A_84 = arith.constant 0 : i32
        %dma_wait3A_85 = tpu.memref_slice %arg9[%scan3A_65, %dma_wait3A_84] : memref<79x128xi32, #tpu.memory_space<vmem>> -> memref<1x128xi32, #tpu.memory_space<vmem>>
        %dma_wait3A_86 = tpu.memref_squeeze %dma_wait3A_85 : memref<1x128xi32, #tpu.memory_space<vmem>> -> memref<128xi32, #tpu.memory_space<vmem>>
        %dma_wait3A_87 = arith.constant 0 : i32
        %dma_wait3A_88 = arith.constant 0 : i32
        %dma_wait3A_89 = tpu.memref_slice %arg7[%dma_wait3A_87, %dma_wait3A_88] : memref<10112x128xf32, #tpu.memory_space<vmem_shared>> -> memref<10112x128xf32, #tpu.memory_space<vmem_shared>>
        tpu.wait_indirect_dma semaphore(%run_scoped3A : memref<!tpu.dma_semaphore, #tpu.memory_space<semaphore_mem>>) src(%arg10 : memref<128x128xf32, #tpu.memory_space<vmem>>) dst(%dma_wait3A_89 : memref<10112x128xf32, #tpu.memory_space<vmem_shared>>)
        tpu.yield
      }) : () -> ()
    }
    %scan3A_59 = arith.constant 79 : i32
    %barrier3A_60 = arith.constant 0 : index
    tpu.barrier barrier_id(%barrier3A_60)
    %mul3A_61 = arith.constant 632 : i32
    %mul3A_62 = arith.muli %arg1, %mul3A_61 : i32
    %mul3A_63 = arith.constant 632 : i32
    %mul3A_64 = arith.muli %arg1, %mul3A_63 : i32
    "tpu.region"() ({
      %run_scoped3A = tpu.sem_alloc : memref<!tpu.dma_semaphore, #tpu.memory_space<semaphore_mem>>
      %dma_start3A_65 = arith.constant 0 : i32
      %dma_start3A_66 = tpu.memref_slice %arg6[%arg0, %mul3A_64, %dma_start3A_65] : memref<2x10112x128xf32, #tpu.memory_space<hbm>> -> memref<1x632x128xf32, #tpu.memory_space<hbm>>
      %dma_start3A_67 = tpu.memref_squeeze %dma_start3A_66 : memref<1x632x128xf32, #tpu.memory_space<hbm>> -> memref<632x128xf32, #tpu.memory_space<hbm>>
      %dma_start3A_68 = arith.constant 0 : i32
      %dma_start3A_69 = tpu.memref_slice %arg7[%mul3A_62, %dma_start3A_68] : memref<10112x128xf32, #tpu.memory_space<vmem_shared>> -> memref<632x128xf32, #tpu.memory_space<vmem_shared>>
      tpu.enqueue_dma source(%dma_start3A_69 : memref<632x128xf32, #tpu.memory_space<vmem_shared>>) target(%dma_start3A_67 : memref<632x128xf32, #tpu.memory_space<hbm>>) target_semaphore(%run_scoped3A : memref<!tpu.dma_semaphore, #tpu.memory_space<semaphore_mem>>)
      %dma_wait3A_70 = arith.constant 0 : i32
      %dma_wait3A_71 = tpu.memref_slice %arg6[%arg0, %mul3A_64, %dma_wait3A_70] : memref<2x10112x128xf32, #tpu.memory_space<hbm>> -> memref<1x632x128xf32, #tpu.memory_space<hbm>>
      %dma_wait3A_72 = tpu.memref_squeeze %dma_wait3A_71 : memref<1x632x128xf32, #tpu.memory_space<hbm>> -> memref<632x128xf32, #tpu.memory_space<hbm>>
      %dma_wait3A_73 = arith.constant 0 : i32
      %dma_wait3A_74 = tpu.memref_slice %arg7[%mul3A_62, %dma_wait3A_73] : memref<10112x128xf32, #tpu.memory_space<vmem_shared>> -> memref<632x128xf32, #tpu.memory_space<vmem_shared>>
      tpu.wait_dma2 semaphore(%run_scoped3A : memref<!tpu.dma_semaphore, #tpu.memory_space<semaphore_mem>>) src(%dma_wait3A_74 : memref<632x128xf32, #tpu.memory_space<vmem_shared>>) dst(%dma_wait3A_72 : memref<632x128xf32, #tpu.memory_space<hbm>>)
      tpu.yield
    }) : () -> ()
    return
  }
}

module attributes {stable_mosaic.version = 14 : i64} {
  func.func @_tc_body(%arg0: i32, %arg1: memref<1000x128xf32, #tpu.memory_space<vmem>>, %arg2: memref<1000x128xf32, #tpu.memory_space<vmem>>, %arg3: memref<1000x128xf32, #tpu.memory_space<vmem>>, %arg4: memref<128x128xf32, #tpu.memory_space<vmem>>, %arg5: memref<1000x128xf32, #tpu.memory_space<vmem>>) attributes {dimension_semantics = [#tpu.dimension_semantics<arbitrary>], iteration_bounds = array<i64: 10>, scalar_prefetch = 0 : i64, scratch_operands = 0 : i64, tpu.core_type = #tpu.core_type<tc>, window_params = [{transform_indices = @transform_0, window_bounds = array<i64: 1000, 128>}, {transform_indices = @transform_1, window_bounds = array<i64: 1000, 128>}, {transform_indices = @transform_2, window_bounds = array<i64: 1000, 128>}, {pipeline_mode = #tpu.pipeline_mode<synchronous>, transform_indices = @transform_3, window_bounds = array<i64: 128, 128>}, {transform_indices = @transform_4, window_bounds = array<i64: 1000, 128>}]} {
    %get3A = arith.constant 0 : index
    %get3A_0 = arith.constant 0 : index
    %get3A_1 = vector.load %arg1[%get3A, %get3A_0] : memref<1000x128xf32, #tpu.memory_space<vmem>>, vector<1000x128xf32>
    %get3A_2 = arith.constant 0 : index
    %get3A_3 = arith.constant 0 : index
    %get3A_4 = vector.load %arg2[%get3A_2, %get3A_3] : memref<1000x128xf32, #tpu.memory_space<vmem>>, vector<1000x128xf32>
    %add3A = arith.addf %get3A_1, %get3A_4 : vector<1000x128xf32>
    %get3A_5 = arith.constant 0 : index
    %get3A_6 = arith.constant 0 : index
    %get3A_7 = vector.load %arg4[%get3A_5, %get3A_6] : memref<128x128xf32, #tpu.memory_space<vmem>>, vector<128x128xf32>
    %dot_general3A = arith.constant dense<0.000000e+00> : vector<1000x128xf32>
    %dot_general3A_8 = tpu.matmul %add3A, %get3A_7, %dot_general3A {dimension_numbers = #tpu.dot_dimension_numbers<[1], [0], [0], [1], [0, 0, 1, 1], [], []>, transpose_lhs_hint = false} : vector<1000x128xf32>, vector<128x128xf32>, vector<1000x128xf32> -> vector<1000x128xf32>
    %max3A = arith.constant 0.000000e+00 : f32
    %max3A_9 = vector.broadcast %max3A : f32 to vector<1000x128xf32>
    %max3A_10 = arith.maximumf %dot_general3A_8, %max3A_9 : vector<1000x128xf32>
    %get3A_11 = arith.constant 0 : index
    %get3A_12 = arith.constant 0 : index
    %get3A_13 = vector.load %arg3[%get3A_11, %get3A_12] : memref<1000x128xf32, #tpu.memory_space<vmem>>, vector<1000x128xf32>
    %add3A_14 = arith.addf %max3A_10, %get3A_13 : vector<1000x128xf32>
    %swap3A = arith.constant 0 : index
    %swap3A_15 = arith.constant 0 : index
    %swap3A_16 = vector.load %arg5[%swap3A, %swap3A_15] : memref<1000x128xf32, #tpu.memory_space<vmem>>, vector<1000x128xf32>
    tpu.vector_store %arg5[%swap3A, %swap3A_15], %add3A_14 {strides = array<i32>} : memref<1000x128xf32, #tpu.memory_space<vmem>>, vector<1000x128xf32>,
    return
  }
  func.func @transform_0(%arg0: i32) -> (i32, i32) {
    %c0_i32 = arith.constant 0 : i32
    %c0_i32_0 = arith.constant 0 : i32
    return %arg0, %c0_i32 : i32, i32
  }
  func.func @transform_1(%arg0: i32) -> (i32, i32) {
    %c0_i32 = arith.constant 0 : i32
    %c0_i32_0 = arith.constant 0 : i32
    return %arg0, %c0_i32 : i32, i32
  }
  func.func @transform_2(%arg0: i32) -> (i32, i32) {
    %c0_i32 = arith.constant 0 : i32
    %c0_i32_0 = arith.constant 0 : i32
    return %arg0, %c0_i32 : i32, i32
  }
  func.func @transform_3(%arg0: i32) -> (i32, i32) {
    %c0_i32 = arith.constant 0 : i32
    %c0_i32_0 = arith.constant 0 : i32
    %c0_i32_1 = arith.constant 0 : i32
    return %c0_i32, %c0_i32_0 : i32, i32
  }
  func.func @transform_4(%arg0: i32) -> (i32, i32) {
    %c0_i32 = arith.constant 0 : i32
    %c0_i32_0 = arith.constant 0 : i32
    return %arg0, %c0_i32 : i32, i32
  }
}

</mosaic_0001>

<sc_bundles>
// kernel: kernel.4.cloned.1.call-start
scs
__scs_entry_jumppad:
0x0: {  	(pc) =	sbr.rel $0x88, $3  }
0x1: {  	(tag) =	ssettag $0x0;
	lr =	simm.s32 $0x1  }
0x2: {  	[smem:$0x3F9E] =	sst lr;
	_ =	strace $0xD0000000  }
0x3: {  	_ = 	snop  }
0x4: {  	_ = 	snop  }
0x5: {  	_ = 	snop  }
0x6: {  	_ = 	snop  }
0x7: {  	_ = 	snop  }
__scs_overlays_trampoline_lowered:
0x8: {  	[smem:$0x3FAD] =	sst s0  }
0x9: {  	[smem:$0x3FAE] =	sst s1  }
0xa: {  	[smem:$0x3FAF] =	sst s2  }
0xb: {  	[smem:$0x3FB0] =	sst s3  }
0xc: {  	[smem:$0x3FB1] =	sst s4  }
0xd: {  	[smem:$0x3FB2] =	sst s5  }
0xe: {  	[smem:$0x3FB3] =	sst s6  }
0xf: {  	[smem:$0x3FB4] =	sst s7  }
0x10: {  	[smem:$0x3FB5] =	sst s8  }
0x11: {  	[smem:$0x3FB6] =	sst s9;
	s0 =	simm.s32 @!p0 $0x0  }
0x12: {  	s1 =	sld [smem:$0x3F9C];
	s0 =	simm.s32 @p0 $0x1  }
0x13: {  	[smem:$0x3FB7] =	sst s0;
	s0 =	simm.s32 @!p1 $0x0  }
0x14: {  	s2 =	sld [smem:$0x3F9B];
	s0 =	simm.s32 @p1 $0x1  }
0x15: {  	[smem:$0x3FB8] =	sst s0;
	s0 =	simm.s32 @!p2 $0x0  }
0x16: {  	s3 =	sld [smem:$0x3FDB];
	s0 =	simm.s32 @p2 $0x1  }
0x17: {  	s4 =	simm.s32 $0x1BF5;
	[smem:$0x3FBA] =	sst s0  }
0x18: {  	s0 =	sld [smem:$0x3F9D];
	_ =	swait.ge [sflag:s4], $0x0  }
0x19: {  	s7 =	sld [smem:$0x3F9E]  }
0x1a: {  	s8 =	sadd.s32 $0xFFFFE003, lr  }
0x1b: {  	s9 =	sadd.s32 $0xFFFFFEF7, lr;
	s5 =	simm.s32 $0xFFFFFFFF;
	p2 =	slt.u32 s8, $0xFFFFF086  }
0x1c: {  	p1 =	slt.u32 s9, $0xF7A;
	s5 =	simm.s32 @!p2 $0x0  }
0x1d: {  	s5 =	simm.s32 @p1 $0x1;
	p0 =	seq.s32 s7, s2  }
0x1e: {  	s7 =	smul.u32 @!p0 $0xF7A, s2;
	p2 =	seq.s32 @!p0 s5, $0x0  }
0x1f: {  	s9 =	smul.u32 $0xF7A, s1;
	s8 =	simm.s32 @!p0 $0x1BF5;
	p2 =	por !p2, p0  }
0x20: {  	[sflag:s8] =	ssyncset.s32 @!p0 $0xFFFFF086;
	s6 =	sadd.s32 @!p0 s3, s7;
	s7 =	simm.s32 @!p0 $0x108  }
0x21: {  	s3 =	sadd.s32 s3, s9;
	s6 =	sadd.s32 @!p0 $0x88, s6;
	s7 =	simm.s32 @p2 $0x1082  }
0x22: {  	[simem:s7], [sflag:s8] =	dma.local @!p0 [hbm:s6], $0xF7A  }
0x23: {  	s9 =	sor.u32 $0xD0000000, s2;
	s6 =	simm.s32 $0x108;
	_ =	swait.ge @!p0 [sflag:s8], $0x0  }
0x24: {  	s3 =	sadd.s32 $0x88, s3;
	s6 =	simm.s32 @!p1 $0x1082;
	[sflag:s4] =	ssyncset.s32 $0xFFFFF086  }
0x25: {  	[simem:s6], [sflag:s4] =	dma.local [hbm:s3], $0xF7A  }
0x26: {  	[smem:$0x3F9E] =	sst s1;
	(tag) =	ssettag s2;
	_ =	strace s9  }
0x27: {  	s1 =	sld [smem:$0x3FAE]  }
0x28: {  	s2 =	sld [smem:$0x3FAF]  }
0x29: {  	s4 =	sld [smem:$0x3FB1]  }
0x2a: {  	p0 =	seq.s32 s5, $0x0;
	s5 =	sld [smem:$0x3FB2]  }
0x2b: {  	s6 =	sld [smem:$0x3FB3]  }
0x2c: {  	s7 =	sld [smem:$0x3FB4]  }
0x2d: {  	s3 =	simm.s32 $0x108;
	s8 =	sld [smem:$0x3FB5]  }
0x2e: {  	s3 =	simm.s32 @!p0 $0x1082;
	s9 =	sld [smem:$0x3FB6]  }
0x2f: {  	lr =	sadd.s32 s0, s3;
	s0 =	sld [smem:$0x3FAD]  }
0x30: {  	s3 =	sld [smem:$0x3FB0]  }
0x31: {  	[smem:$0x3FB9] =	sst s10  }
0x32: {  	s10 =	sld [smem:$0x3FB7];
	_ =	sdelay $0x3  }
0x33: {  	p0 =	seq.s32 s10, $0x1;
	s10 =	sld [smem:$0x3FB9];
	_ =	sdelay $0x3  }
0x34: {  	[smem:$0x3FB9] =	sst s10  }
0x35: {  	s10 =	sld [smem:$0x3FB8];
	_ =	sdelay $0x3  }
0x36: {  	p1 =	seq.s32 s10, $0x1;
	s10 =	sld [smem:$0x3FB9];
	_ =	sdelay $0x3  }
0x37: {  	[smem:$0x3FB9] =	sst s10  }
0x38: {  	s10 =	sld [smem:$0x3FBA]  }
0x39: {  	_ = 	snop;
	(pc) =	sbr.ind lr, $3  }
0x3a: {  	_ = 	snop  }
0x3b: {  	_ = 	snop  }
0x3c: {  	p2 =	seq.s32 s10, $0x1;
	s10 =	sld [smem:$0x3FB9]  }
0x3d: {  	_ =	shalt  }
0x3e: {  	_ =	shalt  }
0x3f: {  	_ =	shalt  }
0x40: {  	_ =	shalt  }
0x41: {  	_ =	shalt  }
0x42: {  	_ =	shalt  }
0x43: {  	_ =	shalt  }
0x44: {  	_ =	shalt  }
0x45: {  	_ =	shalt  }
0x46: {  	_ =	shalt  }
0x47: {  	_ =	shalt  }
0x48: {  	_ =	shalt  }
0x49: {  	_ =	shalt  }
0x4a: {  	_ =	shalt  }
0x4b: {  	_ =	shalt  }
0x4c: {  	_ =	shalt  }
0x4d: {  	_ =	shalt  }
0x4e: {  	_ =	shalt  }
0x4f: {  	_ =	shalt  }
0x50: {  	_ =	shalt  }
0x51: {  	_ =	shalt  }
0x52: {  	_ =	shalt  }
0x53: {  	_ =	shalt  }
0x54: {  	_ =	shalt  }
0x55: {  	_ =	shalt  }
0x56: {  	_ =	shalt  }
0x57: {  	_ =	shalt  }
0x58: {  	_ =	shalt  }
0x59: {  	_ =	shalt  }
0x5a: {  	_ =	shalt  }
0x5b: {  	_ =	shalt  }
0x5c: {  	_ =	shalt  }
0x5d: {  	_ =	shalt  }
0x5e: {  	_ =	shalt  }
0x5f: {  	_ =	shalt  }
0x60: {  	_ =	shalt  }
0x61: {  	_ =	shalt  }
0x62: {  	_ =	shalt  }
0x63: {  	_ =	shalt  }
0x64: {  	_ =	shalt  }
0x65: {  	_ =	shalt  }
0x66: {  	_ =	shalt  }
0x67: {  	_ =	shalt  }
0x68: {  	_ =	shalt  }
0x69: {  	_ =	shalt  }
0x6a: {  	_ =	shalt  }
0x6b: {  	_ =	shalt  }
0x6c: {  	_ =	shalt  }
0x6d: {  	_ =	shalt  }
0x6e: {  	_ =	shalt  }
0x6f: {  	_ =	shalt  }
0x70: {  	_ =	shalt  }
0x71: {  	_ =	shalt  }
0x72: {  	_ =	shalt  }
0x73: {  	_ =	shalt  }
0x74: {  	_ =	shalt  }
0x75: {  	_ =	shalt  }
0x76: {  	_ =	shalt  }
0x77: {  	_ =	shalt  }
0x78: {  	_ =	shalt  }
0x79: {  	_ =	shalt  }
0x7a: {  	_ =	shalt  }
0x7b: {  	_ =	shalt  }
0x7c: {  	_ =	shalt  }
0x7d: {  	_ =	shalt  }
0x7e: {  	_ =	shalt  }
0x7f: {  	_ =	shalt  }
0x80: {  	_ =	shalt  }
0x81: {  	_ =	shalt  }
0x82: {  	_ =	shalt  }
0x83: {  	_ =	shalt  }
0x84: {  	_ =	shalt  }
0x85: {  	_ =	shalt  }
0x86: {  	_ =	shalt  }
0x87: {  	_ =	shalt  }
.Lfunc_end0:
.L_simem_size_0:
called_computation_lowered:
.L_overlay_start_0:
0x88: {  	s2 =	sld [smem:$0x3FD9]  }
0x89: {  	s3 =	sld [smem:$0x3FFE];
	_ =	sdelay $0x1  }
0x8a: {  	s1 =	srdreg.scid  }
0x8b: {  	s0 =	sand.u32 $0x1, s1  }
0x8c: {  	s17 =	sshll.u32 s0, $0xA;
	s2 =	sadd.s32 s3, s2  }
0x8d: {  	s2 =	sadd.s32 s2, s17  }
0x8e: {  	[smem:$0x3FC5] =	sst s2  }
0x8f: {  	_ = 	snop  }
0x90: {  	s2 =	sld [smem:$0x3FC9]  }
0x91: {  	s18 =	sld [smem:$0x3FD0];
	(tm) =	ssettm $0x1  }
0x92: {  	s4 =	sld [smem:$0x3FFB];
	_ =	sdelay $0x3  }
0x93: {  	_ =	strace s4  }
0x94: {  	s4 =	sld [smem:$0x3FFC];
	_ =	sdelay $0x3  }
0x95: {  	_ =	strace s4  }
0x96: {  	s4 =	sld [smem:$0x3FFD];
	_ =	sdelay $0x3  }
0x97: {  	_ =	strace s4  }
0x98: {  	_ =	strace $0x8FFFFFFF  }
0x99: {  	s19 =	sld [smem:$0x3FDB];
	_ =	sdelay $0x1  }
0x9a: {  	s5 =	simm.s32 $_scs_section_size  }
0x9b: {  	s6 =	simm.s32 $_size__tile_overlayer_lowered;
	s7 =	simm.s32 $_tile_overlayer_lowered  }
0x9c: {  	s22 =	simm.s32 $0x1BFF;
	s21 =	sshll.u32 s7, $0x1;
	s4 =	sadd.s32 s5, s19  }
0x9d: {  	s8 =	simm.s32 $0x0;
	s20 =	sshll.u32 s6, $0x1;
	s6 =	sadd.s32 s21, s4  }
0x9e: {  	[timem:s8], [sflag:s22] =	dma.local [hbm:s6], s20  }
0x9f: {  	_ =	swait.ge [sflag:s22], s20  }
0xa0: {  	s5 =	ssub.s32 $0x0, s20;
	[sflag:s22] =	ssyncset.done $0x0  }
0xa1: {  	[sflag:s22] =	ssyncadd.s32 s5;
	_ =	sdelay $0x1  }
0xa2: {  	s23 =	simm.s32 $0x1B8B  }
0xa3: {  	_ =	swait.ge [sflag:s23], $0x1  }
0xa4: {  	[sflag:s23] =	ssyncset.done $0x0  }
0xa5: {  	s25 =	simm.s32 $0x1B8E;
	s24 =	sld [smem:$0x3FFE];
	[sflag:s23] =	ssyncadd.s32 $0xFFFFFFFF  }
0xa6: {  	s26 =	simm.s32 $execute0_lowered;
	[smem:$0x3FD2] =	sst s25  }
0xa7: {  	s6 =	sshll.u32 s26, $0x1;
	_ =	strace $0x80000046;
	[dreg:$0x1] =	wrdreg $0xFFFFFFFF  }
0xa8: {  	s28 =	simm.s32 $_size_execute0_lowered;
	s4 =	sadd.s32 s4, s6;
	[dreg:$0x0] =	wrdreg $0x0  }
0xa9: {  	s6 =	sshll.u32 s28, $0x1;
	[dreg:$0x2] =	wrdreg s4  }
0xaa: {  	[dreg:$0x3] =	wrdreg s6  }
0xab: {  	[dreg:$0x4] =	wrdreg $0xC0  }
0xac: {  	_ =	task [dreg:s8], $0x5FFFF  }
0xad: {  	[dreg:$0x1] =	wrdreg $0xFFFFFFFF  }
0xae: {  	[dreg:$0x0] =	wrdreg $0x60  }
0xaf: {  	[dreg:$0x2] =	wrdreg s2  }
0xb0: {  	[dreg:$0x3] =	wrdreg s18  }
0xb1: {  	[dreg:$0x4] =	wrdreg s24  }
0xb2: {  	[dreg:$0x5] =	wrdreg $0x0  }
0xb3: {  	[dreg:$0x6] =	wrdreg $0x9  }
0xb4: {  	_ =	task.clear_ibuf [dreg:s8], $0x7FFFF;
	_ =	strace $0x90000046  }
0xb5: {  	s29 =	simm.s32 $0x9;
	_ =	strace $0x80000048  }
0xb6: {  	_ =	swait.ge [sflag:s29], $0x1  }
0xb7: {  	[sflag:s29] =	ssyncadd.s32 $0xFFFFFFFF  }
0xb8: {  	_ =	strace $0x90000048  }
0xb9: {  	_ =	sfence  }
0xba: {  	s30 =	sld [smem:$0x0];
	_ =	sdelay $0x2  }
0xbb: {  	s31 =	sshll.u32 s1, $0xD;
	s1 =	sshrl.u32 s1, $0x2  }
0xbc: {  	s3 =	sand.u32 $0x4000, s31;
	s1 =	sadd.s32 s1, s30  }
0xbd: {  	s0 =	sor.u32 s3, s0;
	s1 =	sshll.u32 s1, $0x11  }
0xbe: {  	s0 =	sor.u32 s1, s0  }
0xbf: {  	s0 =	sadd.s32 $0x8F2B, s0  }
0xc0: {  	[sflag:s0] =	ssyncadd.remote.s32 $0x1  }
0xc1: {  	_ =	sfence.sel $0xFFFF  }
0xc2: {  	[dreg:$0x0] =	wrdreg $0xFFFFFFFF;
	(pc) =	sbr.abs _section_cstart, $3  }
0xc3: {  	[dreg:$0x1] =	wrdreg $0xFFFFFFFF  }
0xc4: {  	_ =	task.clear_ibuf [dreg:s8], $0x2FFFF;
	_ =	strace $0x9FFFFFFF  }
0xc5: {  	(tm) =	ssettm $0x7FFFFFFF  }
tec
execute0_lowered:
.L_overlay_start_1:
0x0: {  	(tag) =	ssettag $0x1  }
0x1: {  	s1 =	rddreg [dreg:$0x0]  }
0x2: {  	s7 =	rddreg [dreg:$0x1]  }
0x3: {  	s2 =	srdreg.scid;
	s6 =	rddreg [dreg:$0x2]  }
0x4: {  	s0 =	stileid.u32;
	s3 =	rddreg [dreg:$0x3]  }
0x5: {  	s4 =	simm.s32 $0x0;
	s13 =	simm.s32 $0x16400;
	s14 =	simm.s32 $0x2  }
0x6: {  	s15 =	simm.s32 $0x3;
	s16 =	simm.s32 $0x4;
	s17 =	simm.s32 $0x80  }
0x7: {  	s18 =	simm.s32 $0x18C00;
	s19 =	simm.s32 $0x1;
	s20 =	simm.s32 $0x5  }
0x8: {  	s22 =	simm.s32 $0x0;
	s5 =	sand.u32 $0x1, s2;
	s10 =	smul.u32 $0x13C00, s0  }
0x9: {  	s28 =	sshll.u32 s0, $0x1;
	[smem:$0x7FF] =	sst s4;
	s12 =	smul.u32 $0x4F000, s0  }
0xa: {  	s21 =	sshll.u32 s0, $0x6;
	s2 =	sor.u32 s5, s28;
	s9 =	smul.u32 $0x13C000, s5  }
0xb: {  	s29 =	ssub.s32 $0x2, s5;
	s5 =	sadd.s32 $0xA800, s6;
	s8 =	smul.u32 $0x500, s2  }
0xc: {  	s2 =	rddreg [dreg:$0x4];
	_ =	strace $0x80000047;
	s30 =	sshrl.u32 s29, $0x1  }
0xd: {  	s31 =	sshrl.u32 s12, $0x2;
	s9 =	sadd.s32 s10, s9;
	s10 =	ssub.s32 s29, s30  }
0xe: {  	s12 =	sadd.s32 s31, s3;
	s11 =	sadd.s32 s8, s6;
	s9 =	sshrl.u32 s9, $0x3  }
0xf: {  	s7 =	sadd.s32 s7, s8;
	s10 =	smax.u32 s10, $0x1;
	s9 =	sadd.s32 s9, s6  }
0x10: {  	s6 =	sor.u32 $0x1C02, s21;
	s8 =	sadd.s32 $0x800, s11;
	s11 =	sshrl.u32 s12, $0x3  }
0x11: {  	s12 =	simm.s32 $0x13C00;
	s21 =	sor.u32 $0x1C05, s21;
	s9 =	sadd.s32 $0xD000, s9  }
.LBB2_1:
0x12: {  	[spmem:s11], [sflag:s6] =	dma.local [hbm:s5], $0x2780  }
0x13: {  	[tilespmem:s12], [sflag:$0x3] =	stream.linear.gather [hbm4b:s7+s4], $0x2780, $0x38;
	[tilespmem:$0x1CC00] =	vst v63  }
0x14: {  	_ = 	snop  }
0x15: {  	[tilespmem:s13], [sflag:$0x4] =	stream.linear.gather [hbm4b:s8+s4], $0x2780, $0x38;
	[tilespmem:$0x1CC00] =	vst v63  }
0x16: {  	_ =	swait.ge [sflag:s14], $0x2780  }
0x17: {  	[sflag:s14] =	ssyncset.done $0x0  }
0x18: {  	[sflag:s14] =	ssyncadd.s32 $0xFFFFD880  }
0x19: {  	_ =	swait.ge [sflag:s15], $0x2780  }
0x1a: {  	[sflag:s15] =	ssyncset.done $0x0  }
0x1b: {  	[sflag:s15] =	ssyncadd.s32 $0xFFFFD880  }
0x1c: {  	_ =	swait.ge [sflag:s16], $0x2780  }
0x1d: {  	[sflag:s16] =	ssyncset.done $0x0  }
0x1e: {  	[sflag:s16] =	ssyncadd.s32 $0xFFFFD880  }
0x1f: {  	s23 =	simm.s32 $0x13C00;
	[bflag:$0x0] =	sbarrier.arrive $0xFFFF  }
0x20: {  	[tilespmem:s18], [sflag:$0x1] =	stream.indirect.gather [hbm4b:s1+s17], $0x80, s23, s17, $0xb8;
	[tilespmem:$0x1CC00] =	vst v63  }
0x21: {  	_ =	swait.ge [sflag:s19], $0x4000  }
0x22: {  	[sflag:s19] =	ssyncset.done $0x0  }
0x23: {  	s31 =	simm.s32 $0x16400;
	[sflag:s19] =	ssyncadd.s32 $0xFFFFC000  }
0x24: {  	[spmem:s3] =	stream.indirect.scatter.add.f32 [tilespmem:s18], [sflag:$0x5], $0x80, s31, s17, $0xb8;
	[tilespmem:$0x1CC00] =	vst v63  }
0x25: {  	_ =	swait.ge [sflag:s20], $0x4000  }
0x26: {  	s24 =	simm.s32 $0x400;
	s23 =	simm.s32 $0x80;
	[sflag:s20] =	ssyncset.done $0x0  }
.LBB2_2:
0x27: {  	s25 =	sadd.s32 $0x13C00, s23  }
0x28: {  	[sflag:s20] =	ssyncadd.s32 $0xFFFFC000;
	s26 =	smov.u32 s24;
	s28 =	sadd.s32 $0x200, s24  }
0x29: {  	[tilespmem:s18], [sflag:$0x1] =	stream.indirect.gather [hbm4b:s1+s17], $0x80, s25, s17, $0xb8;
	[tilespmem:$0x1CC00] =	vst v63  }
0x2a: {  	p0 =	sne.s32 s24, $0x9C00;
	_ =	swait.ge [sflag:s19], $0x4000  }
.Ltmp0:
0x2b: {  	[sflag:s19] =	ssyncset.done $0x0;
	(pc) =	sbr.rel @p0 .LBB2_2-.Ltmp0, $4  }
0x2c: {  	s23 =	sadd.s32 $0x16400, s23;
	[sflag:s19] =	ssyncadd.s32 $0xFFFFC000  }
0x2d: {  	[spmem:s3] =	stream.indirect.scatter.add.f32 [tilespmem:s18], [sflag:$0x5], $0x80, s23, s17, $0xb8;
	[tilespmem:$0x1CC00] =	vst v63  }
0x2e: {  	_ =	swait.ge [sflag:s20], $0x4000  }
0x2f: {  	s24 =	smov.u32 s28;
	s23 =	sshra.s32 s26, $0x2;
	[sflag:s20] =	ssyncset.done $0x0  }
0x30: {  	s24 =	sadd.s32 $0x13C00, s23;
	[sflag:s20] =	ssyncadd.s32 $0xFFFFC000  }
0x31: {  	[tilespmem:s18], [sflag:$0x1] =	stream.indirect.gather [hbm4b:s1+s17], $0x80, s24, s17, $0xb8;
	[tilespmem:$0x1CC00] =	vst v63  }
0x32: {  	_ =	swait.ge [sflag:s19], $0x4000  }
0x33: {  	[sflag:s19] =	ssyncset.done $0x0  }
0x34: {  	s31 =	sadd.s32 $0x16400, s23;
	[sflag:s19] =	ssyncadd.s32 $0xFFFFC000  }
0x35: {  	[spmem:s3] =	stream.indirect.scatter.add.f32 [tilespmem:s18], [sflag:$0x5], $0x80, s31, s17, $0xb8;
	[tilespmem:$0x1CC00] =	vst v63  }
0x36: {  	_ =	swait.ge [sflag:s20], $0x4000  }
0x37: {  	s22 =	sadd.s32 $0x1, s22;
	[sflag:s20] =	ssyncset.done $0x0  }
0x38: {  	p0 =	sne.s32 s22, s10;
	[sflag:s20] =	ssyncadd.s32 $0xFFFFC000  }
.Ltmp1:
0x39: {  	[bflag:$0x0] =	sbarrier.arrive $0xFFFF;
	(pc) =	sbr.rel @p0 .LBB2_1-.Ltmp1, $4  }
0x3a: {  	[hbm:s9], [sflag:s21] =	dma.local [spmem:s11], $0x2780  }
0x3b: {  	_ =	swait.ge [sflag:s20], $0x2780  }
0x3c: {  	[sflag:s20] =	ssyncset.done $0x0  }
0x3d: {  	[sflag:s20] =	ssyncadd.s32 $0xFFFFD880  }
0x3e: {  	_ =	sfence.sel $0x180000  }
0x3f: {  	[bflag:$0x0] =	sbarrier.arrive $0xFFFF  }
0x40: {  	p0 =	sne.s32 s0, $0x0;
	_ =	strace $0x90000047  }
0x41: {  	s0 =	sadd.s32 @!p0 $0x100000, s2;
	[bflag:$0x2] =	sbarrier.arrive $0xFFFF  }
0x42: {  	[sflag:s0] =	ssyncadd.tile.s32 @!p0 $0x1;
	_ =	shalt  }
.Lfunc_end2:
_tile_overlayer_lowered:
.L_overlay_start_2:
0x43: {  	(tag) =	ssettag $0x2  }
0x44: {  	s0 =	rddreg [dreg:$0x0];
	s2 =	stileid.u32  }
0x45: {  	s1 =	rddreg [dreg:$0x1];
	p0 =	sne.s32 s2, $0x0  }
0x46: {  	s3 =	rddreg [dreg:$0x2];
	[bflag:$0x3] =	sbarrier.arrive $0xFFFF;
	s2 =	simm.s32 @!p0 $0x1C05  }
0x47: {  	[timem:s3], [sflag:s2] =	dma.local @!p0 [hbm:s0], s1  }
0x48: {  	s0 =	simm.s32 @!p0 $0x5  }
0x49: {  	_ =	swait.ge @!p0 [sflag:s0], s1  }
0x4a: {  	s1 =	ssub.s32 @!p0 $0x0, s1;
	[sflag:s0] =	ssyncset.done @!p0 $0x0  }
0x4b: {  	[sflag:s0] =	ssyncadd.s32 @!p0 s1  }
0x4c: {  	[bflag:$0x3] =	sbarrier.arrive $0xFFFF  }
0x4d: {  	_ =	shalt  }

</sc_bundles>
